<compile_context>
chip_gen: v7x
topology: tpu7x:2x2x1
jax: 0.10.2.dev20260603
libtpu: 0.0.44.dev20260713+nightly
codegen_flags: <defaults>
</compile_context>

<pallas_src>
import functools

import jax
import jax.numpy as jnp
from jax import lax
from jax.experimental import pallas as pl
from jax.experimental.pallas import tpu as pltpu
from jax.experimental.pallas import tpu_sc as plsc

B, L, V = 4096, 20, 1000
C = V * L
NW = 32
RPW = B // NW
RPB = 1
NBUF = 4
RPS = RPB * NBUF

_mesh = plsc.VectorSubcoreMesh(core_axis_name="c", subcore_axis_name="s")


@functools.partial(
    pl.kernel,
    out_type=jax.ShapeDtypeStruct((B, C), jnp.float32),
    mesh=_mesh,
    compiler_params=pltpu.CompilerParams(needs_layout_passes=False),
    scratch_types=[
        pltpu.VMEM((RPW * L,), jnp.int32),
        pltpu.VMEM((RPB, C), jnp.float32),
        pltpu.VMEM((RPB, C), jnp.float32),
        pltpu.VMEM((RPB, C), jnp.float32),
        pltpu.VMEM((RPB, C), jnp.float32),
        pltpu.SemaphoreType.DMA,
        pltpu.SemaphoreType.DMA,
        pltpu.SemaphoreType.DMA,
        pltpu.SemaphoreType.DMA,
    ],
)
def _sc_one_hot(scaled_hbm, out_hbm, idx_v, buf0, buf1, buf2, buf3,
                sem0, sem1, sem2, sem3):
    wid = lax.axis_index("s") * 2 + lax.axis_index("c")
    base = wid * RPW
    pltpu.sync_copy(scaled_hbm.at[pl.ds(base * L, RPW * L)], idx_v)

    lane = lax.iota(jnp.int32, 16)
    zeros = jnp.zeros((16,), jnp.float32)
    ones = jnp.full((16,), 1.0, jnp.float32)
    hi_mask = lane >= 12
    bufs = (buf0, buf1, buf2, buf3)
    sems = (sem0, sem1, sem2, sem3)

    def memset(i, carry):
        for b in bufs:
            for jb in range(RPB):
                b[jb, pl.ds(i * 16, 16)] = zeros
        return carry

    lax.fori_loop(0, C // 16, memset, 0)

    def scatter_rows(buf, r, vals):
        for jb in range(RPB):
            off = (r + jb) * L + lane
            row = jnp.full((16,), jb, jnp.int32)
            g0 = plsc.load_gather(idx_v, [off])
            g1 = plsc.load_gather(idx_v, [off + 4])
            plsc.store_scatter(buf, [row, g0], vals)
            plsc.store_scatter(buf, [row, g1], vals, mask=hi_mask)

    def step(k, carry):
        for j in range(NBUF):
            r = k * RPS + j * RPB

            @pl.when(k > 0)
            def _(j=j, r=r):
                pltpu.make_async_copy(bufs[j], out_hbm.at[pl.ds(0, RPB)],
                                      sems[j]).wait()
                scatter_rows(bufs[j], r - RPS, zeros)
            scatter_rows(bufs[j], r, ones)
            pltpu.async_copy(bufs[j], out_hbm.at[pl.ds(base + r, RPB)], sems[j])
        return carry

    lax.fori_loop(0, RPW // RPS, step, 0)
    for j in range(NBUF):
        pltpu.make_async_copy(bufs[j], out_hbm.at[pl.ds(0, RPB)], sems[j]).wait()


def kernel(inpt, train_flag):
    scaled = inpt.astype(jnp.int32) * L + jnp.arange(L, dtype=jnp.int32)
    return _sc_one_hot(scaled.reshape(-1))

# --- scband reference (transcript-rebuilt; emitter-appended) ---
"""Pipeline reference for scband-one-hot-39230231281911 (READ-ONLY COPY).

The authoritative reference and input builder live on the scoring server;
editing this copy changes nothing except your own understanding.
"""

import jax, jax.numpy as jnp
import numpy as np

VEC_LEN = 1000
AXIS = 1


def setup_inputs(seed: int = 0) -> dict:
    key = jax.random.key(seed)
    inpt = jax.random.randint(jax.random.fold_in(key, 0), (4096, 20), 0, VEC_LEN, dtype=jnp.int64 if jax.config.jax_enable_x64 else jnp.int32)
    return {"inpt": inpt, "train_flag": 0}


def reference(inpt, train_flag):
    # tf.one_hot(inpt, vec_len) -> [B, L, V]
    oh = jax.nn.one_hot(inpt, VEC_LEN, dtype=jnp.float32)
    # tf.concat(tf.unstack(oh, axis=AXIS+1), axis=AXIS):
    # unstack along axis 2 (the vocab axis) into V tensors of [B, L],
    # then concat along axis 1 -> [B, V*L]. This is exactly equivalent to
    # moving the vocab axis before the length axis and flattening.
    out = jnp.moveaxis(oh, AXIS + 1, AXIS).reshape(oh.shape[0], -1)
    return out

if __name__ == "__main__":
    import jax
    _d = setup_inputs()
    print(jax.jit(kernel)(*tuple(_d.values())))

</pallas_src>

<mosaic_0001>
#map = affine_map<(d0, d1) -> (0)>
#map1 = affine_map<(d0, d1) -> (0, 0)>
module attributes {stable_mosaic.version = 14 : i64} {
  func.func @_sc_one_hot(%arg0: i32, %arg1: i32, %arg2: memref<81920xi32, #tpu.memory_space<hbm>>, %arg3: memref<4096x20000xf32, #tpu.memory_space<hbm>>, %arg4: memref<2560xi32, #tpu.memory_space<vmem>>, %arg5: memref<1x20000xf32, #tpu.memory_space<vmem>>, %arg6: memref<1x20000xf32, #tpu.memory_space<vmem>>, %arg7: memref<1x20000xf32, #tpu.memory_space<vmem>>, %arg8: memref<1x20000xf32, #tpu.memory_space<vmem>>, %arg9: memref<!tpu.dma_semaphore, #tpu.memory_space<semaphore_mem>>, %arg10: memref<!tpu.dma_semaphore, #tpu.memory_space<semaphore_mem>>, %arg11: memref<!tpu.dma_semaphore, #tpu.memory_space<semaphore_mem>>, %arg12: memref<!tpu.dma_semaphore, #tpu.memory_space<semaphore_mem>>) attributes {dimension_semantics = [#tpu.dimension_semantics<core_parallel>, #tpu.dimension_semantics<subcore_parallel>], iteration_bounds = array<i64: 2, 16>, scalar_prefetch = 0 : i64, scratch_operands = 9 : i64, tpu.core_type = #tpu.core_type<sc_vector_subcore>, window_params = [{transform_indices = #map}, {transform_indices = #map1}]} {
    %mul3A = arith.constant 2 : i32
    %mul3A_0 = arith.muli %arg1, %mul3A : i32
    %add3A = arith.addi %mul3A_0, %arg0 : i32
    %mul3A_1 = arith.constant 128 : i32
    %mul3A_2 = arith.muli %add3A, %mul3A_1 : i32
    %mul3A_3 = arith.constant 20 : i32
    %mul3A_4 = arith.muli %mul3A_2, %mul3A_3 : i32
    "tpu.region"() ({
      %run_scoped3A = tpu.sem_alloc : memref<!tpu.dma_semaphore, #tpu.memory_space<semaphore_mem>>
      %dma_start3A = tpu.memref_slice %arg2[%mul3A_4] : memref<81920xi32, #tpu.memory_space<hbm>> -> memref<2560xi32, #tpu.memory_space<hbm>>
      %dma_start3A_44 = tpu.memref_slice %arg2[%mul3A_4] : memref<81920xi32, #tpu.memory_space<hbm>> -> memref<2560xi32, #tpu.memory_space<hbm>>
      tpu.enqueue_dma source(%dma_start3A_44 : memref<2560xi32, #tpu.memory_space<hbm>>) target(%arg4 : memref<2560xi32, #tpu.memory_space<vmem>>) target_semaphore(%run_scoped3A : memref<!tpu.dma_semaphore, #tpu.memory_space<semaphore_mem>>)
      %dma_wait3A_45 = tpu.memref_slice %arg2[%mul3A_4] : memref<81920xi32, #tpu.memory_space<hbm>> -> memref<2560xi32, #tpu.memory_space<hbm>>
      %dma_wait3A_46 = tpu.memref_slice %arg2[%mul3A_4] : memref<81920xi32, #tpu.memory_space<hbm>> -> memref<2560xi32, #tpu.memory_space<hbm>>
      tpu.wait_dma2 semaphore(%run_scoped3A : memref<!tpu.dma_semaphore, #tpu.memory_space<semaphore_mem>>) src(%dma_wait3A_46 : memref<2560xi32, #tpu.memory_space<hbm>>) dst(%arg4 : memref<2560xi32, #tpu.memory_space<vmem>>)
      tpu.yield
    }) : () -> ()
    %iota3A = tpu.iota {dimensions = array<i32: 0>} : vector<16xi32>
    %broadcast_in_dim3A = arith.constant 0.000000e+00 : f32
    %broadcast_in_dim3A_5 = vector.broadcast %broadcast_in_dim3A : f32 to vector<16xf32>
    %broadcast_in_dim3A_6 = arith.constant 1.000000e+00 : f32
    %broadcast_in_dim3A_7 = vector.broadcast %broadcast_in_dim3A_6 : f32 to vector<16xf32>
    %ge3A = arith.constant 12 : i32
    %ge3A_8 = vector.broadcast %ge3A : i32 to vector<16xi32>
    %ge3A_9 = arith.cmpi sge, %iota3A, %ge3A_8 : vector<16xi32>
    %scan3A = arith.constant 0 : i32
    %scan3A_10 = arith.constant 0 : i32
    %scan3A_11 = arith.constant 1250 : i32
    %scan3A_12 = arith.addi %scan3A_10, %scan3A_11 : i32
    %scan3A_13 = arith.constant 1 : i32
    scf.for %scan3A_44 = %scan3A_10 to %scan3A_12 step %scan3A_13  : i32 {
      %mul3A_45 = arith.constant 16 : i32
      %mul3A_46 = arith.muli %scan3A_44, %mul3A_45 : i32
      %swap3A = arith.constant 0 : i32
      %swap3A_47 = arith.index_cast %swap3A : i32 to index
      %swap3A_48 = arith.index_cast %mul3A_46 : i32 to index
      %swap3A_49 = tpu.vector_load %arg5[%swap3A_47, %swap3A_48] {strides = array<i32>} : memref<1x20000xf32, #tpu.memory_space<vmem>>, vector<16xf32>,
      tpu.vector_store %arg5[%swap3A_47, %swap3A_48], %broadcast_in_dim3A_5 {strides = array<i32>} : memref<1x20000xf32, #tpu.memory_space<vmem>>, vector<16xf32>,
      %mul3A_50 = arith.constant 16 : i32
      %mul3A_51 = arith.muli %scan3A_44, %mul3A_50 : i32
      %swap3A_52 = arith.constant 0 : i32
      %swap3A_53 = arith.index_cast %swap3A_52 : i32 to index
      %swap3A_54 = arith.index_cast %mul3A_51 : i32 to index
      %swap3A_55 = tpu.vector_load %arg6[%swap3A_53, %swap3A_54] {strides = array<i32>} : memref<1x20000xf32, #tpu.memory_space<vmem>>, vector<16xf32>,
      tpu.vector_store %arg6[%swap3A_53, %swap3A_54], %broadcast_in_dim3A_5 {strides = array<i32>} : memref<1x20000xf32, #tpu.memory_space<vmem>>, vector<16xf32>,
      %mul3A_56 = arith.constant 16 : i32
      %mul3A_57 = arith.muli %scan3A_44, %mul3A_56 : i32
      %swap3A_58 = arith.constant 0 : i32
      %swap3A_59 = arith.index_cast %swap3A_58 : i32 to index
      %swap3A_60 = arith.index_cast %mul3A_57 : i32 to index
      %swap3A_61 = tpu.vector_load %arg7[%swap3A_59, %swap3A_60] {strides = array<i32>} : memref<1x20000xf32, #tpu.memory_space<vmem>>, vector<16xf32>,
      tpu.vector_store %arg7[%swap3A_59, %swap3A_60], %broadcast_in_dim3A_5 {strides = array<i32>} : memref<1x20000xf32, #tpu.memory_space<vmem>>, vector<16xf32>,
      %mul3A_62 = arith.constant 16 : i32
      %mul3A_63 = arith.muli %scan3A_44, %mul3A_62 : i32
      %swap3A_64 = arith.constant 0 : i32
      %swap3A_65 = arith.index_cast %swap3A_64 : i32 to index
      %swap3A_66 = arith.index_cast %mul3A_63 : i32 to index
      %swap3A_67 = tpu.vector_load %arg8[%swap3A_65, %swap3A_66] {strides = array<i32>} : memref<1x20000xf32, #tpu.memory_space<vmem>>, vector<16xf32>,
      tpu.vector_store %arg8[%swap3A_65, %swap3A_66], %broadcast_in_dim3A_5 {strides = array<i32>} : memref<1x20000xf32, #tpu.memory_space<vmem>>, vector<16xf32>,
    }
    %scan3A_14 = arith.constant 1250 : i32
    %scan3A_15 = arith.constant 0 : i32
    %scan3A_16 = arith.constant 0 : i32
    %scan3A_17 = arith.constant 32 : i32
    %scan3A_18 = arith.addi %scan3A_16, %scan3A_17 : i32
    %scan3A_19 = arith.constant 1 : i32
    scf.for %scan3A_44 = %scan3A_16 to %scan3A_18 step %scan3A_19  : i32 {
      %mul3A_45 = arith.constant 4 : i32
      %mul3A_46 = arith.muli %scan3A_44, %mul3A_45 : i32
      %add3A_47 = arith.constant 0 : i32
      %add3A_48 = arith.addi %mul3A_46, %add3A_47 : i32
      %gt3A = arith.constant 0 : i32
      %gt3A_49 = arith.cmpi sgt, %scan3A_44, %gt3A : i32
      %convert_element_type3A = arith.extui %gt3A_49 : i1 to i32
      %cond3A = arith.constant 0 : i32
      %cond3A_50 = arith.cmpi ne, %convert_element_type3A, %cond3A : i32
      scf.if %cond3A_50 {
        %dma_wait3A_148 = arith.constant 0 : i32
        %dma_wait3A_149 = arith.constant 0 : i32
        %dma_wait3A_150 = tpu.memref_slice %arg3[%dma_wait3A_148, %dma_wait3A_149] : memref<4096x20000xf32, #tpu.memory_space<hbm>> -> memref<1x20000xf32, #tpu.memory_space<hbm>>
        %dma_wait3A_151 = arith.constant 0 : i32
        %dma_wait3A_152 = arith.constant 0 : i32
        %dma_wait3A_153 = tpu.memref_slice %arg3[%dma_wait3A_151, %dma_wait3A_152] : memref<4096x20000xf32, #tpu.memory_space<hbm>> -> memref<1x20000xf32, #tpu.memory_space<hbm>>
        tpu.wait_dma2 semaphore(%arg9 : memref<!tpu.dma_semaphore, #tpu.memory_space<semaphore_mem>>) src(%arg5 : memref<1x20000xf32, #tpu.memory_space<vmem>>) dst(%dma_wait3A_153 : memref<1x20000xf32, #tpu.memory_space<hbm>>)
        %sub3A = arith.constant 4 : i32
        %sub3A_154 = arith.subi %add3A_48, %sub3A : i32
        %add3A_155 = arith.constant 0 : i32
        %add3A_156 = arith.addi %sub3A_154, %add3A_155 : i32
        %mul3A_157 = arith.constant 20 : i32
        %mul3A_158 = arith.muli %add3A_156, %mul3A_157 : i32
        %add3A_159 = vector.broadcast %mul3A_158 : i32 to vector<16xi32>
        %add3A_160 = arith.addi %add3A_159, %iota3A : vector<16xi32>
        %broadcast_in_dim3A_161 = arith.constant 0 : i32
        %broadcast_in_dim3A_162 = vector.broadcast %broadcast_in_dim3A_161 : i32 to vector<16xi32>
        %gather3A_163 = tpu.vector_load_idx %arg4[%add3A_160] : memref<2560xi32, #tpu.memory_space<vmem>>[vector<16xi32>], vector<16xi32>,
        %add3A_164 = arith.constant 4 : i32
        %add3A_165 = vector.broadcast %add3A_164 : i32 to vector<16xi32>
        %add3A_166 = arith.addi %add3A_160, %add3A_165 : vector<16xi32>
        %gather3A_167 = tpu.vector_load_idx %arg4[%add3A_166] : memref<2560xi32, #tpu.memory_space<vmem>>[vector<16xi32>], vector<16xi32>,
        tpu.vector_store_idx %arg5[%broadcast_in_dim3A_162, %gather3A_163], %broadcast_in_dim3A_5 : memref<1x20000xf32, #tpu.memory_space<vmem>>[vector<16xi32>, vector<16xi32>], vector<16xf32>,
        tpu.vector_store_idx %arg5[%broadcast_in_dim3A_162, %gather3A_167], %broadcast_in_dim3A_5 masked %ge3A_9 : memref<1x20000xf32, #tpu.memory_space<vmem>>[vector<16xi32>, vector<16xi32>], vector<16xf32>, vector<16xi1>
      } else {
      }
      %add3A_51 = arith.constant 0 : i32
      %add3A_52 = arith.addi %add3A_48, %add3A_51 : i32
      %mul3A_53 = arith.constant 20 : i32
      %mul3A_54 = arith.muli %add3A_52, %mul3A_53 : i32
      %add3A_55 = vector.broadcast %mul3A_54 : i32 to vector<16xi32>
      %add3A_56 = arith.addi %add3A_55, %iota3A : vector<16xi32>
      %broadcast_in_dim3A_57 = arith.constant 0 : i32
      %broadcast_in_dim3A_58 = vector.broadcast %broadcast_in_dim3A_57 : i32 to vector<16xi32>
      %gather3A = tpu.vector_load_idx %arg4[%add3A_56] : memref<2560xi32, #tpu.memory_space<vmem>>[vector<16xi32>], vector<16xi32>,
      %add3A_59 = arith.constant 4 : i32
      %add3A_60 = vector.broadcast %add3A_59 : i32 to vector<16xi32>
      %add3A_61 = arith.addi %add3A_56, %add3A_60 : vector<16xi32>
      %gather3A_62 = tpu.vector_load_idx %arg4[%add3A_61] : memref<2560xi32, #tpu.memory_space<vmem>>[vector<16xi32>], vector<16xi32>,
      tpu.vector_store_idx %arg5[%broadcast_in_dim3A_58, %gather3A], %broadcast_in_dim3A_7 : memref<1x20000xf32, #tpu.memory_space<vmem>>[vector<16xi32>, vector<16xi32>], vector<16xf32>,
      tpu.vector_store_idx %arg5[%broadcast_in_dim3A_58, %gather3A_62], %broadcast_in_dim3A_7 masked %ge3A_9 : memref<1x20000xf32, #tpu.memory_space<vmem>>[vector<16xi32>, vector<16xi32>], vector<16xf32>, vector<16xi1>
      %add3A_63 = arith.addi %mul3A_2, %add3A_48 : i32
      %dma_start3A = arith.constant 0 : i32
      %dma_start3A_64 = tpu.memref_slice %arg3[%add3A_63, %dma_start3A] : memref<4096x20000xf32, #tpu.memory_space<hbm>> -> memref<1x20000xf32, #tpu.memory_space<hbm>>
      %dma_start3A_65 = arith.constant 0 : i32
      %dma_start3A_66 = tpu.memref_slice %arg3[%add3A_63, %dma_start3A_65] : memref<4096x20000xf32, #tpu.memory_space<hbm>> -> memref<1x20000xf32, #tpu.memory_space<hbm>>
      tpu.enqueue_dma source(%arg5 : memref<1x20000xf32, #tpu.memory_space<vmem>>) target(%dma_start3A_66 : memref<1x20000xf32, #tpu.memory_space<hbm>>) target_semaphore(%arg9 : memref<!tpu.dma_semaphore, #tpu.memory_space<semaphore_mem>>)
      %mul3A_67 = arith.constant 4 : i32
      %mul3A_68 = arith.muli %scan3A_44, %mul3A_67 : i32
      %add3A_69 = arith.constant 1 : i32
      %add3A_70 = arith.addi %mul3A_68, %add3A_69 : i32
      %gt3A_71 = arith.constant 0 : i32
      %gt3A_72 = arith.cmpi sgt, %scan3A_44, %gt3A_71 : i32
      %convert_element_type3A_73 = arith.extui %gt3A_72 : i1 to i32
      %cond3A_74 = arith.constant 0 : i32
      %cond3A_75 = arith.cmpi ne, %convert_element_type3A_73, %cond3A_74 : i32
      scf.if %cond3A_75 {
        %dma_wait3A_148 = arith.constant 0 : i32
        %dma_wait3A_149 = arith.constant 0 : i32
        %dma_wait3A_150 = tpu.memref_slice %arg3[%dma_wait3A_148, %dma_wait3A_149] : memref<4096x20000xf32, #tpu.memory_space<hbm>> -> memref<1x20000xf32, #tpu.memory_space<hbm>>
        %dma_wait3A_151 = arith.constant 0 : i32
        %dma_wait3A_152 = arith.constant 0 : i32
        %dma_wait3A_153 = tpu.memref_slice %arg3[%dma_wait3A_151, %dma_wait3A_152] : memref<4096x20000xf32, #tpu.memory_space<hbm>> -> memref<1x20000xf32, #tpu.memory_space<hbm>>
        tpu.wait_dma2 semaphore(%arg10 : memref<!tpu.dma_semaphore, #tpu.memory_space<semaphore_mem>>) src(%arg6 : memref<1x20000xf32, #tpu.memory_space<vmem>>) dst(%dma_wait3A_153 : memref<1x20000xf32, #tpu.memory_space<hbm>>)
        %sub3A = arith.constant 4 : i32
        %sub3A_154 = arith.subi %add3A_70, %sub3A : i32
        %add3A_155 = arith.constant 0 : i32
        %add3A_156 = arith.addi %sub3A_154, %add3A_155 : i32
        %mul3A_157 = arith.constant 20 : i32
        %mul3A_158 = arith.muli %add3A_156, %mul3A_157 : i32
        %add3A_159 = vector.broadcast %mul3A_158 : i32 to vector<16xi32>
        %add3A_160 = arith.addi %add3A_159, %iota3A : vector<16xi32>
        %broadcast_in_dim3A_161 = arith.constant 0 : i32
        %broadcast_in_dim3A_162 = vector.broadcast %broadcast_in_dim3A_161 : i32 to vector<16xi32>
        %gather3A_163 = tpu.vector_load_idx %arg4[%add3A_160] : memref<2560xi32, #tpu.memory_space<vmem>>[vector<16xi32>], vector<16xi32>,
        %add3A_164 = arith.constant 4 : i32
        %add3A_165 = vector.broadcast %add3A_164 : i32 to vector<16xi32>
        %add3A_166 = arith.addi %add3A_160, %add3A_165 : vector<16xi32>
        %gather3A_167 = tpu.vector_load_idx %arg4[%add3A_166] : memref<2560xi32, #tpu.memory_space<vmem>>[vector<16xi32>], vector<16xi32>,
        tpu.vector_store_idx %arg6[%broadcast_in_dim3A_162, %gather3A_163], %broadcast_in_dim3A_5 : memref<1x20000xf32, #tpu.memory_space<vmem>>[vector<16xi32>, vector<16xi32>], vector<16xf32>,
        tpu.vector_store_idx %arg6[%broadcast_in_dim3A_162, %gather3A_167], %broadcast_in_dim3A_5 masked %ge3A_9 : memref<1x20000xf32, #tpu.memory_space<vmem>>[vector<16xi32>, vector<16xi32>], vector<16xf32>, vector<16xi1>
      } else {
      }
      %add3A_76 = arith.constant 0 : i32
      %add3A_77 = arith.addi %add3A_70, %add3A_76 : i32
      %mul3A_78 = arith.constant 20 : i32
      %mul3A_79 = arith.muli %add3A_77, %mul3A_78 : i32
      %add3A_80 = vector.broadcast %mul3A_79 : i32 to vector<16xi32>
      %add3A_81 = arith.addi %add3A_80, %iota3A : vector<16xi32>
      %broadcast_in_dim3A_82 = arith.constant 0 : i32
      %broadcast_in_dim3A_83 = vector.broadcast %broadcast_in_dim3A_82 : i32 to vector<16xi32>
      %gather3A_84 = tpu.vector_load_idx %arg4[%add3A_81] : memref<2560xi32, #tpu.memory_space<vmem>>[vector<16xi32>], vector<16xi32>,
      %add3A_85 = arith.constant 4 : i32
      %add3A_86 = vector.broadcast %add3A_85 : i32 to vector<16xi32>
      %add3A_87 = arith.addi %add3A_81, %add3A_86 : vector<16xi32>
      %gather3A_88 = tpu.vector_load_idx %arg4[%add3A_87] : memref<2560xi32, #tpu.memory_space<vmem>>[vector<16xi32>], vector<16xi32>,
      tpu.vector_store_idx %arg6[%broadcast_in_dim3A_83, %gather3A_84], %broadcast_in_dim3A_7 : memref<1x20000xf32, #tpu.memory_space<vmem>>[vector<16xi32>, vector<16xi32>], vector<16xf32>,
      tpu.vector_store_idx %arg6[%broadcast_in_dim3A_83, %gather3A_88], %broadcast_in_dim3A_7 masked %ge3A_9 : memref<1x20000xf32, #tpu.memory_space<vmem>>[vector<16xi32>, vector<16xi32>], vector<16xf32>, vector<16xi1>
      %add3A_89 = arith.addi %mul3A_2, %add3A_70 : i32
      %dma_start3A_90 = arith.constant 0 : i32
      %dma_start3A_91 = tpu.memref_slice %arg3[%add3A_89, %dma_start3A_90] : memref<4096x20000xf32, #tpu.memory_space<hbm>> -> memref<1x20000xf32, #tpu.memory_space<hbm>>
      %dma_start3A_92 = arith.constant 0 : i32
      %dma_start3A_93 = tpu.memref_slice %arg3[%add3A_89, %dma_start3A_92] : memref<4096x20000xf32, #tpu.memory_space<hbm>> -> memref<1x20000xf32, #tpu.memory_space<hbm>>
      tpu.enqueue_dma source(%arg6 : memref<1x20000xf32, #tpu.memory_space<vmem>>) target(%dma_start3A_93 : memref<1x20000xf32, #tpu.memory_space<hbm>>) target_semaphore(%arg10 : memref<!tpu.dma_semaphore, #tpu.memory_space<semaphore_mem>>)
      %mul3A_94 = arith.constant 4 : i32
      %mul3A_95 = arith.muli %scan3A_44, %mul3A_94 : i32
      %add3A_96 = arith.constant 2 : i32
      %add3A_97 = arith.addi %mul3A_95, %add3A_96 : i32
      %gt3A_98 = arith.constant 0 : i32
      %gt3A_99 = arith.cmpi sgt, %scan3A_44, %gt3A_98 : i32
      %convert_element_type3A_100 = arith.extui %gt3A_99 : i1 to i32
      %cond3A_101 = arith.constant 0 : i32
      %cond3A_102 = arith.cmpi ne, %convert_element_type3A_100, %cond3A_101 : i32
      scf.if %cond3A_102 {
        %dma_wait3A_148 = arith.constant 0 : i32
        %dma_wait3A_149 = arith.constant 0 : i32
        %dma_wait3A_150 = tpu.memref_slice %arg3[%dma_wait3A_148, %dma_wait3A_149] : memref<4096x20000xf32, #tpu.memory_space<hbm>> -> memref<1x20000xf32, #tpu.memory_space<hbm>>
        %dma_wait3A_151 = arith.constant 0 : i32
        %dma_wait3A_152 = arith.constant 0 : i32
        %dma_wait3A_153 = tpu.memref_slice %arg3[%dma_wait3A_151, %dma_wait3A_152] : memref<4096x20000xf32, #tpu.memory_space<hbm>> -> memref<1x20000xf32, #tpu.memory_space<hbm>>
        tpu.wait_dma2 semaphore(%arg11 : memref<!tpu.dma_semaphore, #tpu.memory_space<semaphore_mem>>) src(%arg7 : memref<1x20000xf32, #tpu.memory_space<vmem>>) dst(%dma_wait3A_153 : memref<1x20000xf32, #tpu.memory_space<hbm>>)
        %sub3A = arith.constant 4 : i32
        %sub3A_154 = arith.subi %add3A_97, %sub3A : i32
        %add3A_155 = arith.constant 0 : i32
        %add3A_156 = arith.addi %sub3A_154, %add3A_155 : i32
        %mul3A_157 = arith.constant 20 : i32
        %mul3A_158 = arith.muli %add3A_156, %mul3A_157 : i32
        %add3A_159 = vector.broadcast %mul3A_158 : i32 to vector<16xi32>
        %add3A_160 = arith.addi %add3A_159, %iota3A : vector<16xi32>
        %broadcast_in_dim3A_161 = arith.constant 0 : i32
        %broadcast_in_dim3A_162 = vector.broadcast %broadcast_in_dim3A_161 : i32 to vector<16xi32>
        %gather3A_163 = tpu.vector_load_idx %arg4[%add3A_160] : memref<2560xi32, #tpu.memory_space<vmem>>[vector<16xi32>], vector<16xi32>,
        %add3A_164 = arith.constant 4 : i32
        %add3A_165 = vector.broadcast %add3A_164 : i32 to vector<16xi32>
        %add3A_166 = arith.addi %add3A_160, %add3A_165 : vector<16xi32>
        %gather3A_167 = tpu.vector_load_idx %arg4[%add3A_166] : memref<2560xi32, #tpu.memory_space<vmem>>[vector<16xi32>], vector<16xi32>,
        tpu.vector_store_idx %arg7[%broadcast_in_dim3A_162, %gather3A_163], %broadcast_in_dim3A_5 : memref<1x20000xf32, #tpu.memory_space<vmem>>[vector<16xi32>, vector<16xi32>], vector<16xf32>,
        tpu.vector_store_idx %arg7[%broadcast_in_dim3A_162, %gather3A_167], %broadcast_in_dim3A_5 masked %ge3A_9 : memref<1x20000xf32, #tpu.memory_space<vmem>>[vector<16xi32>, vector<16xi32>], vector<16xf32>, vector<16xi1>
      } else {
      }
      %add3A_103 = arith.constant 0 : i32
      %add3A_104 = arith.addi %add3A_97, %add3A_103 : i32
      %mul3A_105 = arith.constant 20 : i32
      %mul3A_106 = arith.muli %add3A_104, %mul3A_105 : i32
      %add3A_107 = vector.broadcast %mul3A_106 : i32 to vector<16xi32>
      %add3A_108 = arith.addi %add3A_107, %iota3A : vector<16xi32>
      %broadcast_in_dim3A_109 = arith.constant 0 : i32
      %broadcast_in_dim3A_110 = vector.broadcast %broadcast_in_dim3A_109 : i32 to vector<16xi32>
      %gather3A_111 = tpu.vector_load_idx %arg4[%add3A_108] : memref<2560xi32, #tpu.memory_space<vmem>>[vector<16xi32>], vector<16xi32>,
      %add3A_112 = arith.constant 4 : i32
      %add3A_113 = vector.broadcast %add3A_112 : i32 to vector<16xi32>
      %add3A_114 = arith.addi %add3A_108, %add3A_113 : vector<16xi32>
      %gather3A_115 = tpu.vector_load_idx %arg4[%add3A_114] : memref<2560xi32, #tpu.memory_space<vmem>>[vector<16xi32>], vector<16xi32>,
      tpu.vector_store_idx %arg7[%broadcast_in_dim3A_110, %gather3A_111], %broadcast_in_dim3A_7 : memref<1x20000xf32, #tpu.memory_space<vmem>>[vector<16xi32>, vector<16xi32>], vector<16xf32>,
      tpu.vector_store_idx %arg7[%broadcast_in_dim3A_110, %gather3A_115], %broadcast_in_dim3A_7 masked %ge3A_9 : memref<1x20000xf32, #tpu.memory_space<vmem>>[vector<16xi32>, vector<16xi32>], vector<16xf32>, vector<16xi1>
      %add3A_116 = arith.addi %mul3A_2, %add3A_97 : i32
      %dma_start3A_117 = arith.constant 0 : i32
      %dma_start3A_118 = tpu.memref_slice %arg3[%add3A_116, %dma_start3A_117] : memref<4096x20000xf32, #tpu.memory_space<hbm>> -> memref<1x20000xf32, #tpu.memory_space<hbm>>
      %dma_start3A_119 = arith.constant 0 : i32
      %dma_start3A_120 = tpu.memref_slice %arg3[%add3A_116, %dma_start3A_119] : memref<4096x20000xf32, #tpu.memory_space<hbm>> -> memref<1x20000xf32, #tpu.memory_space<hbm>>
      tpu.enqueue_dma source(%arg7 : memref<1x20000xf32, #tpu.memory_space<vmem>>) target(%dma_start3A_120 : memref<1x20000xf32, #tpu.memory_space<hbm>>) target_semaphore(%arg11 : memref<!tpu.dma_semaphore, #tpu.memory_space<semaphore_mem>>)
      %mul3A_121 = arith.constant 4 : i32
      %mul3A_122 = arith.muli %scan3A_44, %mul3A_121 : i32
      %add3A_123 = arith.constant 3 : i32
      %add3A_124 = arith.addi %mul3A_122, %add3A_123 : i32
      %gt3A_125 = arith.constant 0 : i32
      %gt3A_126 = arith.cmpi sgt, %scan3A_44, %gt3A_125 : i32
      %convert_element_type3A_127 = arith.extui %gt3A_126 : i1 to i32
      %cond3A_128 = arith.constant 0 : i32
      %cond3A_129 = arith.cmpi ne, %convert_element_type3A_127, %cond3A_128 : i32
      scf.if %cond3A_129 {
        %dma_wait3A_148 = arith.constant 0 : i32
        %dma_wait3A_149 = arith.constant 0 : i32
        %dma_wait3A_150 = tpu.memref_slice %arg3[%dma_wait3A_148, %dma_wait3A_149] : memref<4096x20000xf32, #tpu.memory_space<hbm>> -> memref<1x20000xf32, #tpu.memory_space<hbm>>
        %dma_wait3A_151 = arith.constant 0 : i32
        %dma_wait3A_152 = arith.constant 0 : i32
        %dma_wait3A_153 = tpu.memref_slice %arg3[%dma_wait3A_151, %dma_wait3A_152] : memref<4096x20000xf32, #tpu.memory_space<hbm>> -> memref<1x20000xf32, #tpu.memory_space<hbm>>
        tpu.wait_dma2 semaphore(%arg12 : memref<!tpu.dma_semaphore, #tpu.memory_space<semaphore_mem>>) src(%arg8 : memref<1x20000xf32, #tpu.memory_space<vmem>>) dst(%dma_wait3A_153 : memref<1x20000xf32, #tpu.memory_space<hbm>>)
        %sub3A = arith.constant 4 : i32
        %sub3A_154 = arith.subi %add3A_124, %sub3A : i32
        %add3A_155 = arith.constant 0 : i32
        %add3A_156 = arith.addi %sub3A_154, %add3A_155 : i32
        %mul3A_157 = arith.constant 20 : i32
        %mul3A_158 = arith.muli %add3A_156, %mul3A_157 : i32
        %add3A_159 = vector.broadcast %mul3A_158 : i32 to vector<16xi32>
        %add3A_160 = arith.addi %add3A_159, %iota3A : vector<16xi32>
        %broadcast_in_dim3A_161 = arith.constant 0 : i32
        %broadcast_in_dim3A_162 = vector.broadcast %broadcast_in_dim3A_161 : i32 to vector<16xi32>
        %gather3A_163 = tpu.vector_load_idx %arg4[%add3A_160] : memref<2560xi32, #tpu.memory_space<vmem>>[vector<16xi32>], vector<16xi32>,
        %add3A_164 = arith.constant 4 : i32
        %add3A_165 = vector.broadcast %add3A_164 : i32 to vector<16xi32>
        %add3A_166 = arith.addi %add3A_160, %add3A_165 : vector<16xi32>
        %gather3A_167 = tpu.vector_load_idx %arg4[%add3A_166] : memref<2560xi32, #tpu.memory_space<vmem>>[vector<16xi32>], vector<16xi32>,
        tpu.vector_store_idx %arg8[%broadcast_in_dim3A_162, %gather3A_163], %broadcast_in_dim3A_5 : memref<1x20000xf32, #tpu.memory_space<vmem>>[vector<16xi32>, vector<16xi32>], vector<16xf32>,
        tpu.vector_store_idx %arg8[%broadcast_in_dim3A_162, %gather3A_167], %broadcast_in_dim3A_5 masked %ge3A_9 : memref<1x20000xf32, #tpu.memory_space<vmem>>[vector<16xi32>, vector<16xi32>], vector<16xf32>, vector<16xi1>
      } else {
      }
      %add3A_130 = arith.constant 0 : i32
      %add3A_131 = arith.addi %add3A_124, %add3A_130 : i32
      %mul3A_132 = arith.constant 20 : i32
      %mul3A_133 = arith.muli %add3A_131, %mul3A_132 : i32
      %add3A_134 = vector.broadcast %mul3A_133 : i32 to vector<16xi32>
      %add3A_135 = arith.addi %add3A_134, %iota3A : vector<16xi32>
      %broadcast_in_dim3A_136 = arith.constant 0 : i32
      %broadcast_in_dim3A_137 = vector.broadcast %broadcast_in_dim3A_136 : i32 to vector<16xi32>
      %gather3A_138 = tpu.vector_load_idx %arg4[%add3A_135] : memref<2560xi32, #tpu.memory_space<vmem>>[vector<16xi32>], vector<16xi32>,
      %add3A_139 = arith.constant 4 : i32
      %add3A_140 = vector.broadcast %add3A_139 : i32 to vector<16xi32>
      %add3A_141 = arith.addi %add3A_135, %add3A_140 : vector<16xi32>
      %gather3A_142 = tpu.vector_load_idx %arg4[%add3A_141] : memref<2560xi32, #tpu.memory_space<vmem>>[vector<16xi32>], vector<16xi32>,
      tpu.vector_store_idx %arg8[%broadcast_in_dim3A_137, %gather3A_138], %broadcast_in_dim3A_7 : memref<1x20000xf32, #tpu.memory_space<vmem>>[vector<16xi32>, vector<16xi32>], vector<16xf32>,
      tpu.vector_store_idx %arg8[%broadcast_in_dim3A_137, %gather3A_142], %broadcast_in_dim3A_7 masked %ge3A_9 : memref<1x20000xf32, #tpu.memory_space<vmem>>[vector<16xi32>, vector<16xi32>], vector<16xf32>, vector<16xi1>
      %add3A_143 = arith.addi %mul3A_2, %add3A_124 : i32
      %dma_start3A_144 = arith.constant 0 : i32
      %dma_start3A_145 = tpu.memref_slice %arg3[%add3A_143, %dma_start3A_144] : memref<4096x20000xf32, #tpu.memory_space<hbm>> -> memref<1x20000xf32, #tpu.memory_space<hbm>>
      %dma_start3A_146 = arith.constant 0 : i32
      %dma_start3A_147 = tpu.memref_slice %arg3[%add3A_143, %dma_start3A_146] : memref<4096x20000xf32, #tpu.memory_space<hbm>> -> memref<1x20000xf32, #tpu.memory_space<hbm>>
      tpu.enqueue_dma source(%arg8 : memref<1x20000xf32, #tpu.memory_space<vmem>>) target(%dma_start3A_147 : memref<1x20000xf32, #tpu.memory_space<hbm>>) target_semaphore(%arg12 : memref<!tpu.dma_semaphore, #tpu.memory_space<semaphore_mem>>)
    }
    %scan3A_20 = arith.constant 32 : i32
    %dma_wait3A = arith.constant 0 : i32
    %dma_wait3A_21 = arith.constant 0 : i32
    %dma_wait3A_22 = tpu.memref_slice %arg3[%dma_wait3A, %dma_wait3A_21] : memref<4096x20000xf32, #tpu.memory_space<hbm>> -> memref<1x20000xf32, #tpu.memory_space<hbm>>
    %dma_wait3A_23 = arith.constant 0 : i32
    %dma_wait3A_24 = arith.constant 0 : i32
    %dma_wait3A_25 = tpu.memref_slice %arg3[%dma_wait3A_23, %dma_wait3A_24] : memref<4096x20000xf32, #tpu.memory_space<hbm>> -> memref<1x20000xf32, #tpu.memory_space<hbm>>
    tpu.wait_dma2 semaphore(%arg9 : memref<!tpu.dma_semaphore, #tpu.memory_space<semaphore_mem>>) src(%arg5 : memref<1x20000xf32, #tpu.memory_space<vmem>>) dst(%dma_wait3A_25 : memref<1x20000xf32, #tpu.memory_space<hbm>>)
    %dma_wait3A_26 = arith.constant 0 : i32
    %dma_wait3A_27 = arith.constant 0 : i32
    %dma_wait3A_28 = tpu.memref_slice %arg3[%dma_wait3A_26, %dma_wait3A_27] : memref<4096x20000xf32, #tpu.memory_space<hbm>> -> memref<1x20000xf32, #tpu.memory_space<hbm>>
    %dma_wait3A_29 = arith.constant 0 : i32
    %dma_wait3A_30 = arith.constant 0 : i32
    %dma_wait3A_31 = tpu.memref_slice %arg3[%dma_wait3A_29, %dma_wait3A_30] : memref<4096x20000xf32, #tpu.memory_space<hbm>> -> memref<1x20000xf32, #tpu.memory_space<hbm>>
    tpu.wait_dma2 semaphore(%arg10 : memref<!tpu.dma_semaphore, #tpu.memory_space<semaphore_mem>>) src(%arg6 : memref<1x20000xf32, #tpu.memory_space<vmem>>) dst(%dma_wait3A_31 : memref<1x20000xf32, #tpu.memory_space<hbm>>)
    %dma_wait3A_32 = arith.constant 0 : i32
    %dma_wait3A_33 = arith.constant 0 : i32
    %dma_wait3A_34 = tpu.memref_slice %arg3[%dma_wait3A_32, %dma_wait3A_33] : memref<4096x20000xf32, #tpu.memory_space<hbm>> -> memref<1x20000xf32, #tpu.memory_space<hbm>>
    %dma_wait3A_35 = arith.constant 0 : i32
    %dma_wait3A_36 = arith.constant 0 : i32
    %dma_wait3A_37 = tpu.memref_slice %arg3[%dma_wait3A_35, %dma_wait3A_36] : memref<4096x20000xf32, #tpu.memory_space<hbm>> -> memref<1x20000xf32, #tpu.memory_space<hbm>>
    tpu.wait_dma2 semaphore(%arg11 : memref<!tpu.dma_semaphore, #tpu.memory_space<semaphore_mem>>) src(%arg7 : memref<1x20000xf32, #tpu.memory_space<vmem>>) dst(%dma_wait3A_37 : memref<1x20000xf32, #tpu.memory_space<hbm>>)
    %dma_wait3A_38 = arith.constant 0 : i32
    %dma_wait3A_39 = arith.constant 0 : i32
    %dma_wait3A_40 = tpu.memref_slice %arg3[%dma_wait3A_38, %dma_wait3A_39] : memref<4096x20000xf32, #tpu.memory_space<hbm>> -> memref<1x20000xf32, #tpu.memory_space<hbm>>
    %dma_wait3A_41 = arith.constant 0 : i32
    %dma_wait3A_42 = arith.constant 0 : i32
    %dma_wait3A_43 = tpu.memref_slice %arg3[%dma_wait3A_41, %dma_wait3A_42] : memref<4096x20000xf32, #tpu.memory_space<hbm>> -> memref<1x20000xf32, #tpu.memory_space<hbm>>
    tpu.wait_dma2 semaphore(%arg12 : memref<!tpu.dma_semaphore, #tpu.memory_space<semaphore_mem>>) src(%arg8 : memref<1x20000xf32, #tpu.memory_space<vmem>>) dst(%dma_wait3A_43 : memref<1x20000xf32, #tpu.memory_space<hbm>>)
    return
  }
}

</mosaic_0001>

<sc_bundles>
// kernel: kernel.3.cloned.1.call-start
scs
__scs_entry_jumppad:
0x0: {  	(pc) =	sbr.rel $0x88, $3  }
0x1: {  	(tag) =	ssettag $0x0;
	lr =	simm.s32 $0x1  }
0x2: {  	[smem:$0x3FA0] =	sst lr;
	_ =	strace $0xD0000000  }
0x3: {  	_ = 	snop  }
0x4: {  	_ = 	snop  }
0x5: {  	_ = 	snop  }
0x6: {  	_ = 	snop  }
0x7: {  	_ = 	snop  }
__scs_overlays_trampoline_lowered:
0x8: {  	[smem:$0x3FAF] =	sst s0  }
0x9: {  	[smem:$0x3FB0] =	sst s1  }
0xa: {  	[smem:$0x3FB1] =	sst s2  }
0xb: {  	[smem:$0x3FB2] =	sst s3  }
0xc: {  	[smem:$0x3FB3] =	sst s4  }
0xd: {  	[smem:$0x3FB4] =	sst s5  }
0xe: {  	[smem:$0x3FB5] =	sst s6  }
0xf: {  	[smem:$0x3FB6] =	sst s7  }
0x10: {  	[smem:$0x3FB7] =	sst s8  }
0x11: {  	[smem:$0x3FB8] =	sst s9;
	s0 =	simm.s32 @!p0 $0x0  }
0x12: {  	s1 =	sld [smem:$0x3F9E];
	s0 =	simm.s32 @p0 $0x1  }
0x13: {  	[smem:$0x3FB9] =	sst s0;
	s0 =	simm.s32 @!p1 $0x0  }
0x14: {  	s2 =	sld [smem:$0x3F9D];
	s0 =	simm.s32 @p1 $0x1  }
0x15: {  	[smem:$0x3FBA] =	sst s0;
	s0 =	simm.s32 @!p2 $0x0  }
0x16: {  	s3 =	sld [smem:$0x3FDB];
	s0 =	simm.s32 @p2 $0x1  }
0x17: {  	s4 =	simm.s32 $0x1BF5;
	[smem:$0x3FBC] =	sst s0  }
0x18: {  	s0 =	sld [smem:$0x3F9F];
	_ =	swait.ge [sflag:s4], $0x0  }
0x19: {  	s7 =	sld [smem:$0x3FA0]  }
0x1a: {  	s8 =	sadd.s32 $0xFFFFE003, lr  }
0x1b: {  	s9 =	sadd.s32 $0xFFFFFEF7, lr;
	s5 =	simm.s32 $0xFFFFFFFF;
	p2 =	slt.u32 s8, $0xFFFFF086  }
0x1c: {  	p1 =	slt.u32 s9, $0xF7A;
	s5 =	simm.s32 @!p2 $0x0  }
0x1d: {  	s5 =	simm.s32 @p1 $0x1;
	p0 =	seq.s32 s7, s2  }
0x1e: {  	s7 =	smul.u32 @!p0 $0xF7A, s2;
	p2 =	seq.s32 @!p0 s5, $0x0  }
0x1f: {  	s9 =	smul.u32 $0xF7A, s1;
	s8 =	simm.s32 @!p0 $0x1BF5;
	p2 =	por !p2, p0  }
0x20: {  	[sflag:s8] =	ssyncset.s32 @!p0 $0xFFFFF086;
	s6 =	sadd.s32 @!p0 s3, s7;
	s7 =	simm.s32 @!p0 $0x108  }
0x21: {  	s3 =	sadd.s32 s3, s9;
	s6 =	sadd.s32 @!p0 $0x88, s6;
	s7 =	simm.s32 @p2 $0x1082  }
0x22: {  	[simem:s7], [sflag:s8] =	dma.local @!p0 [hbm:s6], $0xF7A  }
0x23: {  	s9 =	sor.u32 $0xD0000000, s2;
	s6 =	simm.s32 $0x108;
	_ =	swait.ge @!p0 [sflag:s8], $0x0  }
0x24: {  	s3 =	sadd.s32 $0x88, s3;
	s6 =	simm.s32 @!p1 $0x1082;
	[sflag:s4] =	ssyncset.s32 $0xFFFFF086  }
0x25: {  	[simem:s6], [sflag:s4] =	dma.local [hbm:s3], $0xF7A  }
0x26: {  	[smem:$0x3FA0] =	sst s1;
	(tag) =	ssettag s2;
	_ =	strace s9  }
0x27: {  	s1 =	sld [smem:$0x3FB0]  }
0x28: {  	s2 =	sld [smem:$0x3FB1]  }
0x29: {  	s4 =	sld [smem:$0x3FB3]  }
0x2a: {  	p0 =	seq.s32 s5, $0x0;
	s5 =	sld [smem:$0x3FB4]  }
0x2b: {  	s6 =	sld [smem:$0x3FB5]  }
0x2c: {  	s7 =	sld [smem:$0x3FB6]  }
0x2d: {  	s3 =	simm.s32 $0x108;
	s8 =	sld [smem:$0x3FB7]  }
0x2e: {  	s3 =	simm.s32 @!p0 $0x1082;
	s9 =	sld [smem:$0x3FB8]  }
0x2f: {  	lr =	sadd.s32 s0, s3;
	s0 =	sld [smem:$0x3FAF]  }
0x30: {  	s3 =	sld [smem:$0x3FB2]  }
0x31: {  	[smem:$0x3FBB] =	sst s10  }
0x32: {  	s10 =	sld [smem:$0x3FB9];
	_ =	sdelay $0x3  }
0x33: {  	p0 =	seq.s32 s10, $0x1;
	s10 =	sld [smem:$0x3FBB];
	_ =	sdelay $0x3  }
0x34: {  	[smem:$0x3FBB] =	sst s10  }
0x35: {  	s10 =	sld [smem:$0x3FBA];
	_ =	sdelay $0x3  }
0x36: {  	p1 =	seq.s32 s10, $0x1;
	s10 =	sld [smem:$0x3FBB];
	_ =	sdelay $0x3  }
0x37: {  	[smem:$0x3FBB] =	sst s10  }
0x38: {  	s10 =	sld [smem:$0x3FBC]  }
0x39: {  	_ = 	snop;
	(pc) =	sbr.ind lr, $3  }
0x3a: {  	_ = 	snop  }
0x3b: {  	_ = 	snop  }
0x3c: {  	p2 =	seq.s32 s10, $0x1;
	s10 =	sld [smem:$0x3FBB]  }
0x3d: {  	_ =	shalt  }
0x3e: {  	_ =	shalt  }
0x3f: {  	_ =	shalt  }
0x40: {  	_ =	shalt  }
0x41: {  	_ =	shalt  }
0x42: {  	_ =	shalt  }
0x43: {  	_ =	shalt  }
0x44: {  	_ =	shalt  }
0x45: {  	_ =	shalt  }
0x46: {  	_ =	shalt  }
0x47: {  	_ =	shalt  }
0x48: {  	_ =	shalt  }
0x49: {  	_ =	shalt  }
0x4a: {  	_ =	shalt  }
0x4b: {  	_ =	shalt  }
0x4c: {  	_ =	shalt  }
0x4d: {  	_ =	shalt  }
0x4e: {  	_ =	shalt  }
0x4f: {  	_ =	shalt  }
0x50: {  	_ =	shalt  }
0x51: {  	_ =	shalt  }
0x52: {  	_ =	shalt  }
0x53: {  	_ =	shalt  }
0x54: {  	_ =	shalt  }
0x55: {  	_ =	shalt  }
0x56: {  	_ =	shalt  }
0x57: {  	_ =	shalt  }
0x58: {  	_ =	shalt  }
0x59: {  	_ =	shalt  }
0x5a: {  	_ =	shalt  }
0x5b: {  	_ =	shalt  }
0x5c: {  	_ =	shalt  }
0x5d: {  	_ =	shalt  }
0x5e: {  	_ =	shalt  }
0x5f: {  	_ =	shalt  }
0x60: {  	_ =	shalt  }
0x61: {  	_ =	shalt  }
0x62: {  	_ =	shalt  }
0x63: {  	_ =	shalt  }
0x64: {  	_ =	shalt  }
0x65: {  	_ =	shalt  }
0x66: {  	_ =	shalt  }
0x67: {  	_ =	shalt  }
0x68: {  	_ =	shalt  }
0x69: {  	_ =	shalt  }
0x6a: {  	_ =	shalt  }
0x6b: {  	_ =	shalt  }
0x6c: {  	_ =	shalt  }
0x6d: {  	_ =	shalt  }
0x6e: {  	_ =	shalt  }
0x6f: {  	_ =	shalt  }
0x70: {  	_ =	shalt  }
0x71: {  	_ =	shalt  }
0x72: {  	_ =	shalt  }
0x73: {  	_ =	shalt  }
0x74: {  	_ =	shalt  }
0x75: {  	_ =	shalt  }
0x76: {  	_ =	shalt  }
0x77: {  	_ =	shalt  }
0x78: {  	_ =	shalt  }
0x79: {  	_ =	shalt  }
0x7a: {  	_ =	shalt  }
0x7b: {  	_ =	shalt  }
0x7c: {  	_ =	shalt  }
0x7d: {  	_ =	shalt  }
0x7e: {  	_ =	shalt  }
0x7f: {  	_ =	shalt  }
0x80: {  	_ =	shalt  }
0x81: {  	_ =	shalt  }
0x82: {  	_ =	shalt  }
0x83: {  	_ =	shalt  }
0x84: {  	_ =	shalt  }
0x85: {  	_ =	shalt  }
0x86: {  	_ =	shalt  }
0x87: {  	_ =	shalt  }
.Lfunc_end0:
.L_simem_size_0:
called_computation_lowered:
.L_overlay_start_0:
0x88: {  	s2 =	sld [smem:$0x3FD9]  }
0x89: {  	s3 =	sld [smem:$0x3FFE];
	_ =	sdelay $0x1  }
0x8a: {  	s1 =	srdreg.scid  }
0x8b: {  	s0 =	sand.u32 $0x1, s1  }
0x8c: {  	s17 =	sshll.u32 s0, $0xA;
	s2 =	sadd.s32 s3, s2  }
0x8d: {  	s2 =	sadd.s32 s2, s17  }
0x8e: {  	[smem:$0x3FC7] =	sst s2  }
0x8f: {  	_ = 	snop  }
0x90: {  	s2 =	sld [smem:$0x3FD0];
	(tm) =	ssettm $0x1  }
0x91: {  	s18 =	sld [smem:$0x3FFB];
	_ =	sdelay $0x3  }
0x92: {  	_ =	strace s18  }
0x93: {  	s3 =	sld [smem:$0x3FFC];
	_ =	sdelay $0x3  }
0x94: {  	_ =	strace s3  }
0x95: {  	s3 =	sld [smem:$0x3FFD];
	_ =	sdelay $0x3  }
0x96: {  	_ =	strace s3  }
0x97: {  	_ =	strace $0x8FFFFFFF  }
0x98: {  	s19 =	sld [smem:$0x3FDB];
	_ =	sdelay $0x1  }
0x99: {  	s4 =	simm.s32 $_scs_section_size  }
0x9a: {  	s5 =	simm.s32 $_size__tile_overlayer_lowered;
	s6 =	simm.s32 $_tile_overlayer_lowered  }
0x9b: {  	s22 =	simm.s32 $0x1BFF;
	s21 =	sshll.u32 s6, $0x1;
	s3 =	sadd.s32 s4, s19  }
0x9c: {  	s7 =	simm.s32 $0x0;
	s20 =	sshll.u32 s5, $0x1;
	s5 =	sadd.s32 s21, s3  }
0x9d: {  	[timem:s7], [sflag:s22] =	dma.local [hbm:s5], s20  }
0x9e: {  	_ =	swait.ge [sflag:s22], s20  }
0x9f: {  	s4 =	ssub.s32 $0x0, s20;
	[sflag:s22] =	ssyncset.done $0x0  }
0xa0: {  	[sflag:s22] =	ssyncadd.s32 s4;
	_ =	sdelay $0x1  }
0xa1: {  	s23 =	simm.s32 $0x1B8B  }
0xa2: {  	_ =	swait.ge [sflag:s23], $0x1  }
0xa3: {  	[sflag:s23] =	ssyncset.done $0x0  }
0xa4: {  	s25 =	simm.s32 $0x1B8E;
	s24 =	sld [smem:$0x3FFE];
	[sflag:s23] =	ssyncadd.s32 $0xFFFFFFFF  }
0xa5: {  	s26 =	simm.s32 $execute0_lowered;
	[smem:$0x3FD2] =	sst s25  }
0xa6: {  	s5 =	sshll.u32 s26, $0x1;
	_ =	strace $0x80000046;
	[dreg:$0x1] =	wrdreg $0xFFFFFFFF  }
0xa7: {  	s28 =	simm.s32 $_size_execute0_lowered;
	s3 =	sadd.s32 s3, s5;
	[dreg:$0x0] =	wrdreg $0x0  }
0xa8: {  	s5 =	sshll.u32 s28, $0x1;
	[dreg:$0x2] =	wrdreg s3  }
0xa9: {  	[dreg:$0x3] =	wrdreg s5  }
0xaa: {  	[dreg:$0x4] =	wrdreg $0xC0  }
0xab: {  	_ =	task [dreg:s7], $0x5FFFF  }
0xac: {  	[dreg:$0x1] =	wrdreg $0xFFFFFFFF  }
0xad: {  	[dreg:$0x0] =	wrdreg $0x60  }
0xae: {  	[dreg:$0x2] =	wrdreg s2  }
0xaf: {  	[dreg:$0x3] =	wrdreg s24  }
0xb0: {  	[dreg:$0x4] =	wrdreg $0x9  }
0xb1: {  	_ =	task.clear_ibuf [dreg:s7], $0x5FFFF;
	_ =	strace $0x90000046  }
0xb2: {  	s29 =	simm.s32 $0x9;
	_ =	strace $0x80000048  }
0xb3: {  	_ =	swait.ge [sflag:s29], $0x1  }
0xb4: {  	[sflag:s29] =	ssyncadd.s32 $0xFFFFFFFF  }
0xb5: {  	_ =	strace $0x90000048  }
0xb6: {  	_ =	sfence  }
0xb7: {  	s30 =	sld [smem:$0x0];
	_ =	sdelay $0x2  }
0xb8: {  	s31 =	sshll.u32 s1, $0xD;
	s1 =	sshrl.u32 s1, $0x2  }
0xb9: {  	s3 =	sand.u32 $0x4000, s31;
	s1 =	sadd.s32 s1, s30  }
0xba: {  	s0 =	sor.u32 s3, s0;
	s1 =	sshll.u32 s1, $0x11  }
0xbb: {  	s0 =	sor.u32 s1, s0  }
0xbc: {  	s0 =	sadd.s32 $0x8F2B, s0  }
0xbd: {  	[sflag:s0] =	ssyncadd.remote.s32 $0x1  }
0xbe: {  	_ =	sfence.sel $0xFFFF  }
0xbf: {  	[dreg:$0x0] =	wrdreg $0xFFFFFFFF;
	(pc) =	sbr.abs _section_cstart, $3  }
0xc0: {  	[dreg:$0x1] =	wrdreg $0xFFFFFFFF  }
0xc1: {  	_ =	task.clear_ibuf [dreg:s7], $0x2FFFF;
	_ =	strace $0x9FFFFFFF  }
0xc2: {  	(tm) =	ssettm $0x7FFFFFFF  }
0xc3: {  	_ =	shalt  }
tec
execute0_lowered:
.L_overlay_start_1:
0x0: {  	(tag) =	ssettag $0x1  }
0x1: {  	s4 =	rddreg [dreg:$0x0]  }
0x2: {  	s3 =	rddreg [dreg:$0x1]  }
0x3: {  	s0 =	rddreg [dreg:$0x2]  }
0x4: {  	s2 =	simm.s32 $0x0;
	s5 =	srdreg.scid;
	s1 =	stileid.u32  }
0x5: {  	s10 =	simm.s32 $0x400;
	s11 =	simm.s32 $0x5880;
	s12 =	simm.s32 $0xA700  }
0x6: {  	s13 =	simm.s32 $0xF580;
	s14 =	simm.s32 $0x1;
	s15 =	simm.s32 $0x2  }
0x7: {  	s16 =	simm.s32 $0x3;
	s17 =	simm.s32 $0x4;
	s18 =	simm.s32 $0x0  }
0x8: {  	[smem:$0x7FF] =	sst s2;
	s5 =	sand.u32 $0x1, s5;
	s6 =	sshll.u32 s1, $0x1  }
0x9: {  	s3 =	sadd.s32 $0x400, s3;
	s7 =	ssub.s32 $0x2, s5;
	s6 =	sor.u32 s5, s6  }
0xa: {  	s31 =	sshll.u32 s1, $0x8;
	s8 =	sshrl.u32 s7, $0x1;
	s6 =	smul.u32 $0x140, s6  }
0xb: {  	_ =	strace $0x80000047;
	s9 =	sshll.u32 s5, $0x7;
	s7 =	ssub.s32 s7, s8  }
0xc: {  	v0 =	vimm.f32 $0.0e+00;
	v1 =	vlaneseq.u32;
	s8 =	simm.s32 $0xA00;
	s4 =	sadd.s32 s4, s6;
	s5 =	smax.u32 s7, $0x1  }
0xd: {  	v3 =	vimm.f32 $1.000000000e+00;
	vm0 =	vcmask $0x3F30;
	v2 =	vadd.s32 $0x4, v1;
	s6 =	sor.u32 s9, s31;
	s7 =	simm.s32 $0x5;
	s9 =	simm.s32 $0x80  }
.LBB2_1:
0xe: {  	[tilespmem:s2], [sflag:$0x5] =	stream.linear.gather [hbm4b:s4+s2], $0xA00, $0x38;
	[tilespmem:$0x14400] =	vst v63  }
0xf: {  	_ =	swait.ge [sflag:s7], $0xA00  }
0x10: {  	[sflag:s7] =	ssyncset.done $0x0  }
0x11: {  	s19 =	simm.s32 $0x0;
	[sflag:s7] =	ssyncadd.s32 $0xFFFFF600  }
.LBB2_2:
0x12: {  	p0 =	sne.s32 s19, $0x13840  }
.Ltmp0:
0x13: {  	s20 =	sshra.s32 s19, $0x2;
	(pc) =	sbr.rel @p0 .LBB2_2-.Ltmp0, $4  }
0x14: {  	[tilespmem:s20+$0xA00] =	vst v0  }
0x15: {  	[tilespmem:s20+$0x5880] =	vst v0  }
0x16: {  	[tilespmem:s20+$0xA700] =	vst v0  }
0x17: {  	s19 =	sadd.s32 $0x40, s19;
	[tilespmem:s20+$0xF580] =	vst v0  }
0x18: {  	s19 =	simm.s32 $0x0;
	s20 =	smov.u32 s6;
	s21 =	simm.s32 $0x0  }
.LBB2_4:
0x19: {  	p0 =	seq.s32 s19, $0x0  }
0x1a: {  	s22 =	sadd.s32 @!p0 $0xFFFFFFB0, s19;
	v4 =	vlaneseq.u32 @!p0  }
0x1b: {  	v5 =	vor.u32 @!p0 s22, v4;
	v6 =	vadd.s32 @!p0 $0x4, v4  }
0x1c: {  	s23 =	simm.s32 @!p0 $0x1;
	v7 =	vadd.s32 @!p0 s22, v6  }
0x1d: {  	_ =	swait.ge @!p0 [sflag:s23], $0x4E80  }
0x1e: {  	[sflag:s23] =	ssyncset.done @!p0 $0x0  }
0x1f: {  	s22 =	simm.s32 @!p0 $0x0;
	[sflag:s23] =	ssyncadd.s32 @!p0 $0xFFFFB180  }
0x20: {  	v5 =	vld.idx.msk @!p0 [tilespmem:v5+s22+$0x0], $0xffff  }
0x21: {  	v7 =	vld.idx.msk @!p0 [tilespmem:v7+s22+$0x0], $0xffff;
	_ =	sdelay $0x1  }
0x22: {  	s24 =	smov.u32 s19;
	vm1 =	vcmask @!p0 $0x3F30  }
0x23: {  	s24 =	simm.s32 @p0 $0x0  }
0x24: {  	v8 =	vor.u32 s24, v1  }
0x25: {  	v9 =	vadd.s32 s24, v2  }
0x26: {  	v10 =	vimm.f32 @!p0 $0.0e+00;
	s23 =	simm.s32 @!p0 $0xA00  }
0x27: {  	[tilespmem:v5+s23+$0x0] =	vst.idx.msk @!p0 $0xffff, v10  }
0x28: {  	[tilespmem:v7+s23+$0x0] =	vst.idx.msk @!p0 vm1, v10  }
0x29: {  	v5 =	vld.idx.msk [tilespmem:v8+s2+$0x0], $0xffff  }
0x2a: {  	v7 =	vld.idx.msk [tilespmem:v9+s2+$0x0], $0xffff;
	_ =	sdelay $0x2  }
0x2b: {  	s30 =	sshrl.u32 s20, $0x3  }
0x2c: {  	s23 =	smul.u32 $0x27400, s30  }
0x2d: {  	s25 =	sand.u32 $0x200, s21  }
0x2e: {  	s25 =	sor.u32 s25, s23  }
0x2f: {  	s25 =	sshrl.u32 s25, $0x3;
	[tilespmem:v5+s8+$0x0] =	vst.idx.msk $0xffff, v3  }
0x30: {  	s26 =	sadd.s32 @!p0 $0xFFFFFFC4, s24;
	s25 =	sadd.s32 s3, s25;
	[tilespmem:v7+s8+$0x0] =	vst.idx.msk vm0, v3  }
0x31: {  	v5 =	vadd.s32 @!p0 s26, v4;
	[hbm4b:s25+s9] =	stream.strided.scatter [tilespmem:s8], [sflag:$0x1], $0x4E80, s10, s9, $0x38;
	[tilespmem:$0x14400] =	vst v63  }
0x32: {  	v7 =	vadd.s32 @!p0 s26, v6;
	s25 =	simm.s32 @!p0 $0x2  }
0x33: {  	_ =	swait.ge @!p0 [sflag:s25], $0x4E80  }
0x34: {  	[sflag:s25] =	ssyncset.done @!p0 $0x0  }
0x35: {  	[sflag:s25] =	ssyncadd.s32 @!p0 $0xFFFFB180  }
0x36: {  	v5 =	vld.idx.msk @!p0 [tilespmem:v5+s22+$0x0], $0xffff  }
0x37: {  	v7 =	vld.idx.msk @!p0 [tilespmem:v7+s22+$0x0], $0xffff;
	_ =	sdelay $0x2  }
0x38: {  	s31 =	sadd.s32 $0x14, s19  }
0x39: {  	v58 =	vadd.s32 s31, v1  }
0x3a: {  	v59 =	vadd.s32 s31, v2  }
0x3b: {  	s25 =	simm.s32 @!p0 $0x5880  }
0x3c: {  	[tilespmem:v5+s25+$0x0] =	vst.idx.msk @!p0 $0xffff, v10  }
0x3d: {  	[tilespmem:v7+s25+$0x0] =	vst.idx.msk @!p0 vm1, v10  }
0x3e: {  	v5 =	vld.idx.msk [tilespmem:v58+s2+$0x0], $0xffff  }
0x3f: {  	v7 =	vld.idx.msk [tilespmem:v59+s2+$0x0], $0xffff;
	_ =	sdelay $0x3  }
0x40: {  	s26 =	sadd.s32 $0x80, s21  }
0x41: {  	s25 =	sand.u32 $0x280, s26  }
0x42: {  	s25 =	sor.u32 s25, s23  }
0x43: {  	s25 =	sshrl.u32 s25, $0x3;
	[tilespmem:v5+s11+$0x0] =	vst.idx.msk $0xffff, v3  }
0x44: {  	s26 =	sadd.s32 @!p0 $0xFFFFFFD8, s24;
	s25 =	sadd.s32 s3, s25;
	[tilespmem:v7+s11+$0x0] =	vst.idx.msk vm0, v3  }
0x45: {  	v5 =	vadd.s32 @!p0 s26, v4;
	[hbm4b:s25+s9] =	stream.strided.scatter [tilespmem:s11], [sflag:$0x2], $0x4E80, s10, s9, $0x38;
	[tilespmem:$0x14400] =	vst v63  }
0x46: {  	v7 =	vadd.s32 @!p0 s26, v6;
	s25 =	simm.s32 @!p0 $0x3  }
0x47: {  	_ =	swait.ge @!p0 [sflag:s25], $0x4E80  }
0x48: {  	[sflag:s25] =	ssyncset.done @!p0 $0x0  }
0x49: {  	[sflag:s25] =	ssyncadd.s32 @!p0 $0xFFFFB180  }
0x4a: {  	v5 =	vld.idx.msk @!p0 [tilespmem:v5+s22+$0x0], $0xffff  }
0x4b: {  	v7 =	vld.idx.msk @!p0 [tilespmem:v7+s22+$0x0], $0xffff;
	_ =	sdelay $0x2  }
0x4c: {  	s28 =	sadd.s32 $0x28, s19  }
0x4d: {  	v60 =	vadd.s32 s28, v1  }
0x4e: {  	v61 =	vadd.s32 s28, v2  }
0x4f: {  	s25 =	simm.s32 @!p0 $0xA700  }
0x50: {  	[tilespmem:v5+s25+$0x0] =	vst.idx.msk @!p0 $0xffff, v10  }
0x51: {  	[tilespmem:v7+s25+$0x0] =	vst.idx.msk @!p0 vm1, v10  }
0x52: {  	v5 =	vld.idx.msk [tilespmem:v60+s2+$0x0], $0xffff  }
0x53: {  	v7 =	vld.idx.msk [tilespmem:v61+s2+$0x0], $0xffff;
	_ =	sdelay $0x3  }
0x54: {  	s29 =	sadd.s32 $0x100, s21  }
0x55: {  	s25 =	sand.u32 $0x300, s29  }
0x56: {  	s25 =	sor.u32 s25, s23  }
0x57: {  	s25 =	sshrl.u32 s25, $0x3;
	[tilespmem:v5+s12+$0x0] =	vst.idx.msk $0xffff, v3  }
0x58: {  	s24 =	sadd.s32 @!p0 $0xFFFFFFEC, s24;
	s25 =	sadd.s32 s3, s25;
	[tilespmem:v7+s12+$0x0] =	vst.idx.msk vm0, v3  }
0x59: {  	v4 =	vadd.s32 @!p0 s24, v4;
	[hbm4b:s25+s9] =	stream.strided.scatter [tilespmem:s12], [sflag:$0x3], $0x4E80, s10, s9, $0x38;
	[tilespmem:$0x14400] =	vst v63  }
0x5a: {  	v5 =	vadd.s32 @!p0 s24, v6;
	s25 =	simm.s32 @!p0 $0x4  }
0x5b: {  	_ =	swait.ge @!p0 [sflag:s25], $0x4E80  }
0x5c: {  	[sflag:s25] =	ssyncset.done @!p0 $0x0  }
0x5d: {  	[sflag:s25] =	ssyncadd.s32 @!p0 $0xFFFFB180  }
0x5e: {  	v4 =	vld.idx.msk @!p0 [tilespmem:v4+s22+$0x0], $0xffff  }
0x5f: {  	v5 =	vld.idx.msk @!p0 [tilespmem:v5+s22+$0x0], $0xffff;
	_ =	sdelay $0x2  }
0x60: {  	s30 =	sadd.s32 $0x3C, s19  }
0x61: {  	v62 =	vadd.s32 s30, v1  }
0x62: {  	v63 =	vadd.s32 s30, v2  }
0x63: {  	s22 =	simm.s32 @!p0 $0xF580  }
0x64: {  	[tilespmem:v4+s22+$0x0] =	vst.idx.msk @!p0 $0xffff, v10  }
0x65: {  	[tilespmem:v5+s22+$0x0] =	vst.idx.msk @!p0 vm1, v10  }
0x66: {  	v4 =	vld.idx.msk [tilespmem:v62+s2+$0x0], $0xffff  }
0x67: {  	v5 =	vld.idx.msk [tilespmem:v63+s2+$0x0], $0xffff;
	_ =	sdelay $0x2  }
0x68: {  	s19 =	sadd.s32 $0x50, s19  }
0x69: {  	s31 =	sadd.s32 $0x180, s21;
	p0 =	sne.s32 s19, $0xA00  }
.Ltmp1:
0x6a: {  	s22 =	sand.u32 $0x380, s31;
	(pc) =	sbr.rel @p0 .LBB2_4-.Ltmp1, $4  }
0x6b: {  	s22 =	sor.u32 s22, s23  }
0x6c: {  	s22 =	sshrl.u32 s22, $0x3;
	[tilespmem:v4+s13+$0x0] =	vst.idx.msk $0xffff, v3  }
0x6d: {  	s20 =	sadd.s32 $0x4, s20;
	s21 =	sadd.s32 $0x200, s21;
	s22 =	sadd.s32 s3, s22;
	[tilespmem:v5+s13+$0x0] =	vst.idx.msk vm0, v3  }
0x6e: {  	[hbm4b:s22+s9] =	stream.strided.scatter [tilespmem:s13], [sflag:$0x4], $0x4E80, s10, s9, $0x38;
	[tilespmem:$0x14400] =	vst v63  }
0x6f: {  	_ =	swait.ge [sflag:s14], $0x4E80  }
0x70: {  	[sflag:s14] =	ssyncset.done $0x0  }
0x71: {  	[sflag:s14] =	ssyncadd.s32 $0xFFFFB180  }
0x72: {  	_ =	swait.ge [sflag:s15], $0x4E80  }
0x73: {  	[sflag:s15] =	ssyncset.done $0x0  }
0x74: {  	s18 =	sadd.s32 $0x1, s18;
	[sflag:s15] =	ssyncadd.s32 $0xFFFFB180  }
0x75: {  	p0 =	sne.s32 s18, s5;
	_ =	swait.ge [sflag:s16], $0x4E80  }
.Ltmp2:
0x76: {  	[sflag:s16] =	ssyncset.done $0x0;
	(pc) =	sbr.rel @p0 .LBB2_1-.Ltmp2, $4  }
0x77: {  	[sflag:s16] =	ssyncadd.s32 $0xFFFFB180  }
0x78: {  	_ =	swait.ge [sflag:s17], $0x4E80  }
0x79: {  	[sflag:s17] =	ssyncset.done $0x0  }
0x7a: {  	[sflag:s17] =	ssyncadd.s32 $0xFFFFB180  }
0x7b: {  	_ =	sfence.sel $0x180000  }
0x7c: {  	[bflag:$0x0] =	sbarrier.arrive $0xFFFF  }
0x7d: {  	p0 =	sne.s32 s1, $0x0;
	_ =	strace $0x90000047  }
0x7e: {  	s0 =	sadd.s32 @!p0 $0x100000, s0;
	[bflag:$0x2] =	sbarrier.arrive $0xFFFF  }
0x7f: {  	[sflag:s0] =	ssyncadd.tile.s32 @!p0 $0x1;
	_ =	shalt  }
.Lfunc_end2:
_tile_overlayer_lowered:
.L_overlay_start_2:
0x80: {  	(tag) =	ssettag $0x2  }
0x81: {  	s0 =	rddreg [dreg:$0x0];
	s2 =	stileid.u32  }
0x82: {  	s1 =	rddreg [dreg:$0x1];
	p0 =	sne.s32 s2, $0x0  }
0x83: {  	s3 =	rddreg [dreg:$0x2];
	[bflag:$0x3] =	sbarrier.arrive $0xFFFF;
	s2 =	simm.s32 @!p0 $0x1C05  }
0x84: {  	[timem:s3], [sflag:s2] =	dma.local @!p0 [hbm:s0], s1  }
0x85: {  	s0 =	simm.s32 @!p0 $0x5  }
0x86: {  	_ =	swait.ge @!p0 [sflag:s0], s1  }
0x87: {  	s1 =	ssub.s32 @!p0 $0x0, s1;
	[sflag:s0] =	ssyncset.done @!p0 $0x0  }
0x88: {  	[sflag:s0] =	ssyncadd.s32 @!p0 s1  }
0x89: {  	[bflag:$0x3] =	sbarrier.arrive $0xFFFF  }
0x8a: {  	_ =	shalt  }

</sc_bundles>
